<compile_context>
chip_gen: v7x
topology: tpu7x:2x2x1
jax: 0.10.2.dev20260603
libtpu: 0.0.44.dev20260713+nightly
codegen_flags: <defaults>
</compile_context>

<pallas_src>
import functools

import jax
import jax.numpy as jnp
from jax import lax
from jax.experimental import pallas as pl
from jax.experimental.pallas import tpu as pltpu
from jax.experimental.pallas import tpu_sc as plsc

B, C, H, W = 16, 96, 32, 32
DIM, K = 32, 8192
N = B * H * W
R = 256
G = N // R


def _round_bf16(v):
    u = jax.lax.bitcast_convert_type(v, jnp.uint32)
    r = (u + jnp.uint32(0x7FFF) + ((u >> 16) & jnp.uint32(1))) & jnp.uint32(0xFFFF0000)
    return jax.lax.bitcast_convert_type(r, jnp.float32)


def _vq_block(xt_ref, wt_ref, b_ref, e_ref, ind_ref, dp_ref):
    f = jnp.dot(xt_ref[...], wt_ref[...], preferred_element_type=jnp.float32)
    f = f + b_ref[...]
    e = e_ref[...]
    f2 = jnp.sum(f * f, axis=1, keepdims=True)
    e2 = jnp.sum(e * e, axis=0, keepdims=True)
    mm2 = jnp.dot(_round_bf16(f) * -2.0, e, preferred_element_type=jnp.float32)
    d = f2 + mm2 + e2
    h = K // 2
    d0 = d[:, :h]
    d1 = d[:, h:]
    m0 = jnp.min(d0, axis=1)
    m1 = jnp.min(d1, axis=1)
    take = m1 < _round_bf16(m0)
    m_win = jnp.where(take, m1, m0)
    d_win = jnp.where(take[:, None], d1, d0)
    iota = jax.lax.broadcasted_iota(jnp.int32, (R, h), 1)
    i_win = jnp.min(jnp.where(d_win == m_win[:, None], iota, K), axis=1)
    ind_ref[0, 0, :] = i_win + jnp.where(take, h, 0)
    dp_ref[...] = jnp.sum(m_win).reshape(1, 1, 1)


_SC_INFO = plsc.get_sparse_core_info()
_NW = _SC_INFO.num_cores * _SC_INFO.num_subcores
_BPW = N // _NW
_PADW = 128


@functools.partial(
    pl.kernel,
    mesh=plsc.VectorSubcoreMesh(core_axis_name="c", subcore_axis_name="s"),
    out_type=jax.ShapeDtypeStruct((N, _PADW), jnp.float32),
    scratch_types=[
        pltpu.VMEM((_BPW,), jnp.int32),
        pltpu.VMEM((_BPW, _PADW), jnp.float32),
        pltpu.SemaphoreType.DMA,
    ],
)
def _sc_gather(table_hbm, idx_hbm, out_hbm, idx_v, rows_v, sem):
    wid = lax.axis_index("s") * _SC_INFO.num_cores + lax.axis_index("c")
    base = wid * _BPW
    pltpu.sync_copy(idx_hbm.at[pl.ds(base, _BPW)], idx_v)
    pltpu.async_copy(table_hbm.at[idx_v], rows_v, sem).wait()
    pltpu.sync_copy(rows_v, out_hbm.at[pl.ds(base, _BPW)])


def kernel(x, conv_w, conv_b, embed):
    xt = x.transpose(0, 2, 3, 1).reshape(N, C)
    wt = conv_w.T
    b2 = conv_b.reshape(1, DIM)
    ind3, dp = pl.pallas_call(
        _vq_block,
        grid=(G,),
        compiler_params=pltpu.CompilerParams(
            dimension_semantics=("parallel",)),
        in_specs=[
            pl.BlockSpec((R, C), lambda i: (i, 0)),
            pl.BlockSpec((C, DIM), lambda i: (0, 0)),
            pl.BlockSpec((1, DIM), lambda i: (0, 0)),
            pl.BlockSpec((DIM, K), lambda i: (0, 0)),
        ],
        out_specs=[
            pl.BlockSpec((1, 1, R), lambda i: (i, 0, 0)),
            pl.BlockSpec((1, 1, 1), lambda i: (i, 0, 0)),
        ],
        out_shape=[
            jax.ShapeDtypeStruct((G, 1, R), jnp.int32),
            jax.ShapeDtypeStruct((G, 1, 1), jnp.float32),
        ],
    )(xt, wt, b2, embed)
    ind = ind3.reshape(N)
    table = jnp.zeros((K, _PADW), jnp.float32).at[:, :DIM].set(embed.T)
    q = _sc_gather(table, ind)[:, :DIM]
    quantize = q.reshape(B, H, W, DIM).transpose(0, 3, 1, 2)
    diff = dp.sum() / jnp.float32(N * DIM)
    embed_ind = ind.reshape(B, H, W)
    return (quantize, diff, embed_ind)

# --- scband reference (transcript-rebuilt; emitter-appended) ---
"""Pipeline reference for scband-vector-quantiser-9474697855751 (READ-ONLY COPY).

The authoritative reference and input builder live on the scoring server;
editing this copy changes nothing except your own understanding.
"""

import jax, jax.numpy as jnp
import numpy as np

B, C, H, W = 16, 96, 32, 32
DIM, K = 32, 8192

def setup_inputs(seed: int = 0) -> dict:
    key = jax.random.key(seed)
    k0, k1, k2, k3 = jax.random.split(key, 4)
    x = jax.random.normal(k0, (B, C, H, W), dtype=jnp.float32)
    # conv_in is a 1x1 conv: weight [embed_dim, in_channels], bias [embed_dim]
    conv_w = jax.random.normal(k1, (DIM, C), dtype=jnp.float32) * 0.1
    conv_b = jax.random.normal(k2, (DIM,), dtype=jnp.float32) * 0.01
    # codebook stored as [embed_dim, nb_entries] like the torch buffer
    embed = jax.random.normal(k3, (DIM, K), dtype=jnp.float32)
    return {"x": x, "conv_w": conv_w, "conv_b": conv_b, "embed": embed}

def reference(x, conv_w, conv_b, embed):
    # 1x1 conv then permute to channels-last: [B, H, W, DIM]
    xp = jnp.einsum('bchw,ec->bhwe', x.astype(jnp.float32), conv_w) + conv_b
    flatten = xp.reshape(-1, DIM)
    # squared-distance matrix [N, K]
    dist = (flatten ** 2).sum(1, keepdims=True) - 2.0 * (flatten @ embed) + (embed ** 2).sum(0, keepdims=True)
    embed_ind = jnp.argmax(-dist, axis=1)
    # embedding lookup (gather rows of embed.T)
    quantize = jnp.take(embed.T, embed_ind, axis=0).reshape(xp.shape)
    embed_ind_out = embed_ind.reshape(xp.shape[:-1])
    diff = jnp.mean((jax.lax.stop_gradient(quantize) - xp) ** 2)
    # straight-through estimator
    quantize = xp + jax.lax.stop_gradient(quantize - xp)
    return (quantize.transpose(0, 3, 1, 2), diff, embed_ind_out)

if __name__ == "__main__":
    import jax
    _d = setup_inputs()
    print(jax.jit(kernel)(*tuple(_d.values())))

</pallas_src>

<mosaic_0001>
#map = affine_map<(d0, d1) -> (0, 0)>
#map1 = affine_map<(d0, d1) -> (0)>
module attributes {stable_mosaic.version = 14 : i64} {
  func.func @_sc_gather(%arg0: i32, %arg1: i32, %arg2: memref<8192x128xf32, #tpu.memory_space<hbm>>, %arg3: memref<16384xi32, #tpu.memory_space<hbm>>, %arg4: memref<16384x128xf32, #tpu.memory_space<hbm>>, %arg5: memref<512xi32, #tpu.memory_space<vmem>>, %arg6: memref<512x128xf32, #tpu.memory_space<vmem>>, %arg7: memref<!tpu.dma_semaphore, #tpu.memory_space<semaphore_mem>>) attributes {dimension_semantics = [#tpu.dimension_semantics<core_parallel>, #tpu.dimension_semantics<subcore_parallel>], iteration_bounds = array<i64: 2, 16>, scalar_prefetch = 0 : i64, scratch_operands = 3 : i64, tpu.core_type = #tpu.core_type<sc_vector_subcore>, window_params = [{transform_indices = #map}, {transform_indices = #map1}, {transform_indices = #map}]} {
    %mul3A = arith.constant 2 : i32
    %mul3A_0 = arith.muli %arg1, %mul3A : i32
    %add3A = arith.addi %mul3A_0, %arg0 : i32
    %mul3A_1 = arith.constant 512 : i32
    %mul3A_2 = arith.muli %add3A, %mul3A_1 : i32
    "tpu.region"() ({
      %run_scoped3A = tpu.sem_alloc : memref<!tpu.dma_semaphore, #tpu.memory_space<semaphore_mem>>
      %dma_start3A_7 = tpu.memref_slice %arg3[%mul3A_2] : memref<16384xi32, #tpu.memory_space<hbm>> -> memref<512xi32, #tpu.memory_space<hbm>>
      %dma_start3A_8 = tpu.memref_slice %arg3[%mul3A_2] : memref<16384xi32, #tpu.memory_space<hbm>> -> memref<512xi32, #tpu.memory_space<hbm>>
      tpu.enqueue_dma source(%dma_start3A_8 : memref<512xi32, #tpu.memory_space<hbm>>) target(%arg5 : memref<512xi32, #tpu.memory_space<vmem>>) target_semaphore(%run_scoped3A : memref<!tpu.dma_semaphore, #tpu.memory_space<semaphore_mem>>)
      %dma_wait3A_9 = tpu.memref_slice %arg3[%mul3A_2] : memref<16384xi32, #tpu.memory_space<hbm>> -> memref<512xi32, #tpu.memory_space<hbm>>
      %dma_wait3A_10 = tpu.memref_slice %arg3[%mul3A_2] : memref<16384xi32, #tpu.memory_space<hbm>> -> memref<512xi32, #tpu.memory_space<hbm>>
      tpu.wait_dma2 semaphore(%run_scoped3A : memref<!tpu.dma_semaphore, #tpu.memory_space<semaphore_mem>>) src(%dma_wait3A_10 : memref<512xi32, #tpu.memory_space<hbm>>) dst(%arg5 : memref<512xi32, #tpu.memory_space<vmem>>)
      tpu.yield
    }) : () -> ()
    %dma_start3A = arith.constant 0 : i32
    %dma_start3A_3 = arith.constant 0 : i32
    %dma_start3A_4 = tpu.memref_slice %arg2[%dma_start3A, %dma_start3A_3] : memref<8192x128xf32, #tpu.memory_space<hbm>> -> memref<8192x128xf32, #tpu.memory_space<hbm>>
    tpu.enqueue_indirect_dma source(%dma_start3A_4 : memref<8192x128xf32, #tpu.memory_space<hbm>>) target(%arg6 : memref<512x128xf32, #tpu.memory_space<vmem>>) offsets(%arg5 : memref<512xi32, #tpu.memory_space<vmem>>) semaphore(%arg7 : memref<!tpu.dma_semaphore, #tpu.memory_space<semaphore_mem>>)
    %dma_wait3A = arith.constant 0 : i32
    %dma_wait3A_5 = arith.constant 0 : i32
    %dma_wait3A_6 = tpu.memref_slice %arg2[%dma_wait3A, %dma_wait3A_5] : memref<8192x128xf32, #tpu.memory_space<hbm>> -> memref<8192x128xf32, #tpu.memory_space<hbm>>
    tpu.wait_indirect_dma semaphore(%arg7 : memref<!tpu.dma_semaphore, #tpu.memory_space<semaphore_mem>>) src(%dma_wait3A_6 : memref<8192x128xf32, #tpu.memory_space<hbm>>) dst(%arg6 : memref<512x128xf32, #tpu.memory_space<vmem>>)
    "tpu.region"() ({
      %run_scoped3A = tpu.sem_alloc : memref<!tpu.dma_semaphore, #tpu.memory_space<semaphore_mem>>
      %dma_start3A_7 = arith.constant 0 : i32
      %dma_start3A_8 = tpu.memref_slice %arg4[%mul3A_2, %dma_start3A_7] : memref<16384x128xf32, #tpu.memory_space<hbm>> -> memref<512x128xf32, #tpu.memory_space<hbm>>
      %dma_start3A_9 = arith.constant 0 : i32
      %dma_start3A_10 = tpu.memref_slice %arg4[%mul3A_2, %dma_start3A_9] : memref<16384x128xf32, #tpu.memory_space<hbm>> -> memref<512x128xf32, #tpu.memory_space<hbm>>
      tpu.enqueue_dma source(%arg6 : memref<512x128xf32, #tpu.memory_space<vmem>>) target(%dma_start3A_10 : memref<512x128xf32, #tpu.memory_space<hbm>>) target_semaphore(%run_scoped3A : memref<!tpu.dma_semaphore, #tpu.memory_space<semaphore_mem>>)
      %dma_wait3A_11 = arith.constant 0 : i32
      %dma_wait3A_12 = tpu.memref_slice %arg4[%mul3A_2, %dma_wait3A_11] : memref<16384x128xf32, #tpu.memory_space<hbm>> -> memref<512x128xf32, #tpu.memory_space<hbm>>
      %dma_wait3A_13 = arith.constant 0 : i32
      %dma_wait3A_14 = tpu.memref_slice %arg4[%mul3A_2, %dma_wait3A_13] : memref<16384x128xf32, #tpu.memory_space<hbm>> -> memref<512x128xf32, #tpu.memory_space<hbm>>
      tpu.wait_dma2 semaphore(%run_scoped3A : memref<!tpu.dma_semaphore, #tpu.memory_space<semaphore_mem>>) src(%arg6 : memref<512x128xf32, #tpu.memory_space<vmem>>) dst(%dma_wait3A_14 : memref<512x128xf32, #tpu.memory_space<hbm>>)
      tpu.yield
    }) : () -> ()
    return
  }
}

module attributes {stable_mosaic.version = 14 : i64} {
  func.func @_vq_block(%arg0: i32, %arg1: memref<256x96xf32, #tpu.memory_space<vmem>>, %arg2: memref<96x32xf32, #tpu.memory_space<vmem>>, %arg3: memref<1x32xf32, #tpu.memory_space<vmem>>, %arg4: memref<32x8192xf32, #tpu.memory_space<vmem>>, %arg5: memref<1x1x256xi32, #tpu.memory_space<vmem>>, %arg6: memref<1x1x1xf32, #tpu.memory_space<vmem>>) attributes {dimension_semantics = [#tpu.dimension_semantics<parallel>], iteration_bounds = array<i64: 64>, scalar_prefetch = 0 : i64, scratch_operands = 0 : i64, tpu.core_type = #tpu.core_type<tc>, window_params = [{transform_indices = @transform_0, window_bounds = array<i64: 256, 96>}, {pipeline_mode = #tpu.pipeline_mode<synchronous>, transform_indices = @transform_1, window_bounds = array<i64: 96, 32>}, {pipeline_mode = #tpu.pipeline_mode<synchronous>, transform_indices = @transform_2, window_bounds = array<i64: 1, 32>}, {pipeline_mode = #tpu.pipeline_mode<synchronous>, transform_indices = @transform_3, window_bounds = array<i64: 32, 8192>}, {transform_indices = @transform_4, window_bounds = array<i64: 1, 1, 256>}, {transform_indices = @transform_5, window_bounds = array<i64: 1, 1, 1>}]} {
    %get3A = arith.constant 0 : index
    %get3A_0 = arith.constant 0 : index
    %get3A_1 = vector.load %arg1[%get3A, %get3A_0] : memref<256x96xf32, #tpu.memory_space<vmem>>, vector<256x96xf32>
    %get3A_2 = arith.constant 0 : index
    %get3A_3 = arith.constant 0 : index
    %get3A_4 = vector.load %arg2[%get3A_2, %get3A_3] : memref<96x32xf32, #tpu.memory_space<vmem>>, vector<96x32xf32>
    %dot_general3A = arith.constant dense<0.000000e+00> : vector<256x32xf32>
    %dot_general3A_5 = tpu.matmul %get3A_1, %get3A_4, %dot_general3A {dimension_numbers = #tpu.dot_dimension_numbers<[1], [0], [0], [1], [0, 0, 1, 1], [], []>, transpose_lhs_hint = false} : vector<256x96xf32>, vector<96x32xf32>, vector<256x32xf32> -> vector<256x32xf32>
    %get3A_6 = arith.constant 0 : index
    %get3A_7 = arith.constant 0 : index
    %get3A_8 = vector.load %arg3[%get3A_6, %get3A_7] : memref<1x32xf32, #tpu.memory_space<vmem>>, vector<1x32xf32>
    %add3A = vector.broadcast %get3A_8 : vector<1x32xf32> to vector<256x32xf32>
    %add3A_9 = arith.addf %dot_general3A_5, %add3A : vector<256x32xf32>
    %get3A_10 = arith.constant 0 : index
    %get3A_11 = arith.constant 0 : index
    %get3A_12 = vector.load %arg4[%get3A_10, %get3A_11] : memref<32x8192xf32, #tpu.memory_space<vmem>>, vector<32x8192xf32>
    %mul3A = arith.mulf %add3A_9, %add3A_9 : vector<256x32xf32>
    %reduce_sum3A = arith.constant dense<0.000000e+00> : vector<256xf32>
    %reduce_sum3A_13 = vector.multi_reduction <add>, %mul3A, %reduce_sum3A [1] : vector<256x32xf32> to vector<256xf32>
    %broadcast_in_dim3A = vector.shape_cast %reduce_sum3A_13 : vector<256xf32> to vector<256x1xf32>
    %mul3A_14 = arith.mulf %get3A_12, %get3A_12 : vector<32x8192xf32>
    %reduce_sum3A_15 = arith.constant dense<0.000000e+00> : vector<8192xf32>
    %reduce_sum3A_16 = vector.multi_reduction <add>, %mul3A_14, %reduce_sum3A_15 [0] : vector<32x8192xf32> to vector<8192xf32>
    %broadcast_in_dim3A_17 = vector.shape_cast %reduce_sum3A_16 : vector<8192xf32> to vector<1x8192xf32>
    %bitcast_convert_type3A = tpu.bitcast %add3A_9 : vector<256x32xf32> -> vector<256x32xi32>
    %add3A_18 = arith.constant 32767 : i32
    %add3A_19 = vector.broadcast %add3A_18 : i32 to vector<256x32xi32>
    %add3A_20 = arith.addi %bitcast_convert_type3A, %add3A_19 : vector<256x32xi32>
    %shift_right_logical3A = arith.constant 16 : i32
    %shift_right_logical3A_21 = vector.broadcast %shift_right_logical3A : i32 to vector<256x32xi32>
    %shift_right_logical3A_22 = arith.shrui %bitcast_convert_type3A, %shift_right_logical3A_21 : vector<256x32xi32>
    %and3A = arith.constant 1 : i32
    %and3A_23 = vector.broadcast %and3A : i32 to vector<256x32xi32>
    %and3A_24 = arith.andi %shift_right_logical3A_22, %and3A_23 : vector<256x32xi32>
    %add3A_25 = arith.addi %add3A_20, %and3A_24 : vector<256x32xi32>
    %and3A_26 = arith.constant -65536 : i32
    %and3A_27 = vector.broadcast %and3A_26 : i32 to vector<256x32xi32>
    %and3A_28 = arith.andi %add3A_25, %and3A_27 : vector<256x32xi32>
    %bitcast_convert_type3A_29 = tpu.bitcast %and3A_28 : vector<256x32xi32> -> vector<256x32xf32>
    %mul3A_30 = arith.constant -2.000000e+00 : f32
    %mul3A_31 = vector.broadcast %mul3A_30 : f32 to vector<256x32xf32>
    %mul3A_32 = arith.mulf %bitcast_convert_type3A_29, %mul3A_31 : vector<256x32xf32>
    %dot_general3A_33 = arith.constant dense<0.000000e+00> : vector<256x8192xf32>
    %dot_general3A_34 = tpu.matmul %mul3A_32, %get3A_12, %dot_general3A_33 {dimension_numbers = #tpu.dot_dimension_numbers<[1], [0], [0], [1], [0, 0, 1, 1], [], []>, transpose_lhs_hint = false} : vector<256x32xf32>, vector<32x8192xf32>, vector<256x8192xf32> -> vector<256x8192xf32>
    %add3A_35 = vector.broadcast %broadcast_in_dim3A : vector<256x1xf32> to vector<256x8192xf32>
    %add3A_36 = arith.addf %add3A_35, %dot_general3A_34 : vector<256x8192xf32>
    %add3A_37 = vector.broadcast %broadcast_in_dim3A_17 : vector<1x8192xf32> to vector<256x8192xf32>
    %add3A_38 = arith.addf %add3A_36, %add3A_37 : vector<256x8192xf32>
    %slice3A = vector.extract_strided_slice %add3A_38 {offsets = [0, 0], sizes = [256, 4096], strides = [1, 1]} : vector<256x8192xf32> to vector<256x4096xf32>
    %slice3A_39 = vector.extract_strided_slice %add3A_38 {offsets = [0, 4096], sizes = [256, 4096], strides = [1, 1]} : vector<256x8192xf32> to vector<256x4096xf32>
    %reduce_min3A = arith.constant dense<0x7F800000> : vector<256xf32>
    %reduce_min3A_40 = vector.multi_reduction <minimumf>, %slice3A, %reduce_min3A [1] : vector<256x4096xf32> to vector<256xf32>
    %reduce_min3A_41 = arith.constant dense<0x7F800000> : vector<256xf32>
    %reduce_min3A_42 = vector.multi_reduction <minimumf>, %slice3A_39, %reduce_min3A_41 [1] : vector<256x4096xf32> to vector<256xf32>
    %bitcast_convert_type3A_43 = tpu.bitcast %reduce_min3A_40 : vector<256xf32> -> vector<256xi32>
    %add3A_44 = arith.constant 32767 : i32
    %add3A_45 = vector.broadcast %add3A_44 : i32 to vector<256xi32>
    %add3A_46 = arith.addi %bitcast_convert_type3A_43, %add3A_45 : vector<256xi32>
    %shift_right_logical3A_47 = arith.constant 16 : i32
    %shift_right_logical3A_48 = vector.broadcast %shift_right_logical3A_47 : i32 to vector<256xi32>
    %shift_right_logical3A_49 = arith.shrui %bitcast_convert_type3A_43, %shift_right_logical3A_48 : vector<256xi32>
    %and3A_50 = arith.constant 1 : i32
    %and3A_51 = vector.broadcast %and3A_50 : i32 to vector<256xi32>
    %and3A_52 = arith.andi %shift_right_logical3A_49, %and3A_51 : vector<256xi32>
    %add3A_53 = arith.addi %add3A_46, %and3A_52 : vector<256xi32>
    %and3A_54 = arith.constant -65536 : i32
    %and3A_55 = vector.broadcast %and3A_54 : i32 to vector<256xi32>
    %and3A_56 = arith.andi %add3A_53, %and3A_55 : vector<256xi32>
    %bitcast_convert_type3A_57 = tpu.bitcast %and3A_56 : vector<256xi32> -> vector<256xf32>
    %lt3A = arith.cmpf olt, %reduce_min3A_42, %bitcast_convert_type3A_57 : vector<256xf32>
    %select_n3A = arith.select %lt3A, %reduce_min3A_42, %reduce_min3A_40 : vector<256xi1>, vector<256xf32>
    %broadcast_in_dim3A_58 = vector.shape_cast %lt3A : vector<256xi1> to vector<256x1xi1>
    %broadcast_in_dim3A_59 = vector.shape_cast %broadcast_in_dim3A_58 : vector<256x1xi1> to vector<256x1xi1>
    %broadcast_in_dim3A_60 = vector.broadcast %broadcast_in_dim3A_59 : vector<256x1xi1> to vector<256x4096xi1>
    %select_n3A_61 = arith.select %broadcast_in_dim3A_60, %slice3A_39, %slice3A : vector<256x4096xi1>, vector<256x4096xf32>
    %iota3A = tpu.iota {dimensions = array<i32: 1>} : vector<256x4096xi32>
    %broadcast_in_dim3A_62 = vector.shape_cast %select_n3A : vector<256xf32> to vector<256x1xf32>
    %eq3A = vector.broadcast %broadcast_in_dim3A_62 : vector<256x1xf32> to vector<256x4096xf32>
    %eq3A_63 = arith.cmpf oeq, %select_n3A_61, %eq3A : vector<256x4096xf32>
    %jit3A = arith.constant 8192 : i32
    %broadcast_in_dim3A_64 = vector.broadcast %jit3A : i32 to vector<256x4096xi32>
    %select_n3A_65 = arith.select %eq3A_63, %iota3A, %broadcast_in_dim3A_64 : vector<256x4096xi1>, vector<256x4096xi32>
    %reduce_min3A_66 = arith.constant dense<2147483647> : vector<256xi32>
    %reduce_min3A_67 = vector.multi_reduction <minsi>, %select_n3A_65, %reduce_min3A_66 [1] : vector<256x4096xi32> to vector<256xi32>
    %jit3A_68 = arith.constant 4096 : i32
    %jit3A_69 = arith.constant 0 : i32
    %broadcast_in_dim3A_70 = vector.broadcast %jit3A_68 : i32 to vector<256xi32>
    %broadcast_in_dim3A_71 = vector.broadcast %jit3A_69 : i32 to vector<256xi32>
    %select_n3A_72 = arith.select %lt3A, %broadcast_in_dim3A_70, %broadcast_in_dim3A_71 : vector<256xi1>, vector<256xi32>
    %add3A_73 = arith.addi %reduce_min3A_67, %select_n3A_72 : vector<256xi32>
    %swap3A = arith.constant 0 : index
    %swap3A_74 = arith.constant 0 : index
    %swap3A_75 = arith.constant 0 : index
    %swap3A_76 = vector.load %arg5[%swap3A, %swap3A_74, %swap3A_75] : memref<1x1x256xi32, #tpu.memory_space<vmem>>, vector<1x1x256xi32>
    %swap3A_77 = vector.shape_cast %swap3A_76 : vector<1x1x256xi32> to vector<256xi32>
    %swap3A_78 = vector.shape_cast %add3A_73 : vector<256xi32> to vector<1x1x256xi32>
    tpu.vector_store %arg5[%swap3A, %swap3A_74, %swap3A_75], %swap3A_78 {strides = array<i32>} : memref<1x1x256xi32, #tpu.memory_space<vmem>>, vector<1x1x256xi32>,
    %reduce_sum3A_79 = vector.shape_cast %select_n3A : vector<256xf32> to vector<1x256xf32>
    %reduce_sum3A_80 = arith.constant dense<0.000000e+00> : vector<1xf32>
    %reduce_sum3A_81 = vector.multi_reduction <add>, %reduce_sum3A_79, %reduce_sum3A_80 [1] : vector<1x256xf32> to vector<1xf32>
    %reduce_sum3A_82 = vector.shape_cast %reduce_sum3A_81 : vector<1xf32> to vector<1x1xf32>
    %reduce_sum3A_83 = vector.extract %reduce_sum3A_82[0, 0] : f32 from vector<1x1xf32>
    %reshape3A = vector.broadcast %reduce_sum3A_83 : f32 to vector<1x1x1xf32>
    %swap3A_84 = arith.constant 0 : index
    %swap3A_85 = arith.constant 0 : index
    %swap3A_86 = arith.constant 0 : index
    %swap3A_87 = vector.load %arg6[%swap3A_84, %swap3A_85, %swap3A_86] : memref<1x1x1xf32, #tpu.memory_space<vmem>>, vector<1x1x1xf32>
    tpu.vector_store %arg6[%swap3A_84, %swap3A_85, %swap3A_86], %reshape3A {strides = array<i32>} : memref<1x1x1xf32, #tpu.memory_space<vmem>>, vector<1x1x1xf32>,
    return
  }
  func.func @transform_0(%arg0: i32) -> (i32, i32) {
    %c0_i32 = arith.constant 0 : i32
    %c0_i32_0 = arith.constant 0 : i32
    return %arg0, %c0_i32 : i32, i32
  }
  func.func @transform_1(%arg0: i32) -> (i32, i32) {
    %c0_i32 = arith.constant 0 : i32
    %c0_i32_0 = arith.constant 0 : i32
    %c0_i32_1 = arith.constant 0 : i32
    return %c0_i32, %c0_i32_0 : i32, i32
  }
  func.func @transform_2(%arg0: i32) -> (i32, i32) {
    %c0_i32 = arith.constant 0 : i32
    %c0_i32_0 = arith.constant 0 : i32
    %c0_i32_1 = arith.constant 0 : i32
    return %c0_i32, %c0_i32_0 : i32, i32
  }
  func.func @transform_3(%arg0: i32) -> (i32, i32) {
    %c0_i32 = arith.constant 0 : i32
    %c0_i32_0 = arith.constant 0 : i32
    %c0_i32_1 = arith.constant 0 : i32
    return %c0_i32, %c0_i32_0 : i32, i32
  }
  func.func @transform_4(%arg0: i32) -> (i32, i32, i32) {
    %c0_i32 = arith.constant 0 : i32
    %c0_i32_0 = arith.constant 0 : i32
    %c0_i32_1 = arith.constant 0 : i32
    return %arg0, %c0_i32, %c0_i32_0 : i32, i32, i32
  }
  func.func @transform_5(%arg0: i32) -> (i32, i32, i32) {
    %c0_i32 = arith.constant 0 : i32
    %c0_i32_0 = arith.constant 0 : i32
    %c0_i32_1 = arith.constant 0 : i32
    return %arg0, %c0_i32, %c0_i32_0 : i32, i32, i32
  }
}

</mosaic_0001>

<sc_bundles>
// kernel: kernel.4.cloned.1.call-start
scs
__scs_entry_jumppad:
0x0: {  	(pc) =	sbr.rel $0x88, $3  }
0x1: {  	(tag) =	ssettag $0x0;
	lr =	simm.s32 $0x1  }
0x2: {  	[smem:$0x3F9D] =	sst lr;
	_ =	strace $0xD0000000  }
0x3: {  	_ = 	snop  }
0x4: {  	_ = 	snop  }
0x5: {  	_ = 	snop  }
0x6: {  	_ = 	snop  }
0x7: {  	_ = 	snop  }
__scs_overlays_trampoline_lowered:
0x8: {  	[smem:$0x3FAC] =	sst s0  }
0x9: {  	[smem:$0x3FAD] =	sst s1  }
0xa: {  	[smem:$0x3FAE] =	sst s2  }
0xb: {  	[smem:$0x3FAF] =	sst s3  }
0xc: {  	[smem:$0x3FB0] =	sst s4  }
0xd: {  	[smem:$0x3FB1] =	sst s5  }
0xe: {  	[smem:$0x3FB2] =	sst s6  }
0xf: {  	[smem:$0x3FB3] =	sst s7  }
0x10: {  	[smem:$0x3FB4] =	sst s8  }
0x11: {  	[smem:$0x3FB5] =	sst s9;
	s0 =	simm.s32 @!p0 $0x0  }
0x12: {  	s1 =	sld [smem:$0x3F9B];
	s0 =	simm.s32 @p0 $0x1  }
0x13: {  	[smem:$0x3FB6] =	sst s0;
	s0 =	simm.s32 @!p1 $0x0  }
0x14: {  	s2 =	sld [smem:$0x3F9A];
	s0 =	simm.s32 @p1 $0x1  }
0x15: {  	[smem:$0x3FB7] =	sst s0;
	s0 =	simm.s32 @!p2 $0x0  }
0x16: {  	s3 =	sld [smem:$0x3FDB];
	s0 =	simm.s32 @p2 $0x1  }
0x17: {  	s4 =	simm.s32 $0x1BF5;
	[smem:$0x3FB9] =	sst s0  }
0x18: {  	s0 =	sld [smem:$0x3F9C];
	_ =	swait.ge [sflag:s4], $0x0  }
0x19: {  	s7 =	sld [smem:$0x3F9D]  }
0x1a: {  	s8 =	sadd.s32 $0xFFFFE003, lr  }
0x1b: {  	s9 =	sadd.s32 $0xFFFFFEF7, lr;
	s5 =	simm.s32 $0xFFFFFFFF;
	p2 =	slt.u32 s8, $0xFFFFF086  }
0x1c: {  	p1 =	slt.u32 s9, $0xF7A;
	s5 =	simm.s32 @!p2 $0x0  }
0x1d: {  	s5 =	simm.s32 @p1 $0x1;
	p0 =	seq.s32 s7, s2  }
0x1e: {  	s7 =	smul.u32 @!p0 $0xF7A, s2;
	p2 =	seq.s32 @!p0 s5, $0x0  }
0x1f: {  	s9 =	smul.u32 $0xF7A, s1;
	s8 =	simm.s32 @!p0 $0x1BF5;
	p2 =	por !p2, p0  }
0x20: {  	[sflag:s8] =	ssyncset.s32 @!p0 $0xFFFFF086;
	s6 =	sadd.s32 @!p0 s3, s7;
	s7 =	simm.s32 @!p0 $0x108  }
0x21: {  	s3 =	sadd.s32 s3, s9;
	s6 =	sadd.s32 @!p0 $0x88, s6;
	s7 =	simm.s32 @p2 $0x1082  }
0x22: {  	[simem:s7], [sflag:s8] =	dma.local @!p0 [hbm:s6], $0xF7A  }
0x23: {  	s9 =	sor.u32 $0xD0000000, s2;
	s6 =	simm.s32 $0x108;
	_ =	swait.ge @!p0 [sflag:s8], $0x0  }
0x24: {  	s3 =	sadd.s32 $0x88, s3;
	s6 =	simm.s32 @!p1 $0x1082;
	[sflag:s4] =	ssyncset.s32 $0xFFFFF086  }
0x25: {  	[simem:s6], [sflag:s4] =	dma.local [hbm:s3], $0xF7A  }
0x26: {  	[smem:$0x3F9D] =	sst s1;
	(tag) =	ssettag s2;
	_ =	strace s9  }
0x27: {  	s1 =	sld [smem:$0x3FAD]  }
0x28: {  	s2 =	sld [smem:$0x3FAE]  }
0x29: {  	s4 =	sld [smem:$0x3FB0]  }
0x2a: {  	p0 =	seq.s32 s5, $0x0;
	s5 =	sld [smem:$0x3FB1]  }
0x2b: {  	s6 =	sld [smem:$0x3FB2]  }
0x2c: {  	s7 =	sld [smem:$0x3FB3]  }
0x2d: {  	s3 =	simm.s32 $0x108;
	s8 =	sld [smem:$0x3FB4]  }
0x2e: {  	s3 =	simm.s32 @!p0 $0x1082;
	s9 =	sld [smem:$0x3FB5]  }
0x2f: {  	lr =	sadd.s32 s0, s3;
	s0 =	sld [smem:$0x3FAC]  }
0x30: {  	s3 =	sld [smem:$0x3FAF]  }
0x31: {  	[smem:$0x3FB8] =	sst s10  }
0x32: {  	s10 =	sld [smem:$0x3FB6];
	_ =	sdelay $0x3  }
0x33: {  	p0 =	seq.s32 s10, $0x1;
	s10 =	sld [smem:$0x3FB8];
	_ =	sdelay $0x3  }
0x34: {  	[smem:$0x3FB8] =	sst s10  }
0x35: {  	s10 =	sld [smem:$0x3FB7];
	_ =	sdelay $0x3  }
0x36: {  	p1 =	seq.s32 s10, $0x1;
	s10 =	sld [smem:$0x3FB8];
	_ =	sdelay $0x3  }
0x37: {  	[smem:$0x3FB8] =	sst s10  }
0x38: {  	s10 =	sld [smem:$0x3FB9]  }
0x39: {  	_ = 	snop;
	(pc) =	sbr.ind lr, $3  }
0x3a: {  	_ = 	snop  }
0x3b: {  	_ = 	snop  }
0x3c: {  	p2 =	seq.s32 s10, $0x1;
	s10 =	sld [smem:$0x3FB8]  }
0x3d: {  	_ =	shalt  }
0x3e: {  	_ =	shalt  }
0x3f: {  	_ =	shalt  }
0x40: {  	_ =	shalt  }
0x41: {  	_ =	shalt  }
0x42: {  	_ =	shalt  }
0x43: {  	_ =	shalt  }
0x44: {  	_ =	shalt  }
0x45: {  	_ =	shalt  }
0x46: {  	_ =	shalt  }
0x47: {  	_ =	shalt  }
0x48: {  	_ =	shalt  }
0x49: {  	_ =	shalt  }
0x4a: {  	_ =	shalt  }
0x4b: {  	_ =	shalt  }
0x4c: {  	_ =	shalt  }
0x4d: {  	_ =	shalt  }
0x4e: {  	_ =	shalt  }
0x4f: {  	_ =	shalt  }
0x50: {  	_ =	shalt  }
0x51: {  	_ =	shalt  }
0x52: {  	_ =	shalt  }
0x53: {  	_ =	shalt  }
0x54: {  	_ =	shalt  }
0x55: {  	_ =	shalt  }
0x56: {  	_ =	shalt  }
0x57: {  	_ =	shalt  }
0x58: {  	_ =	shalt  }
0x59: {  	_ =	shalt  }
0x5a: {  	_ =	shalt  }
0x5b: {  	_ =	shalt  }
0x5c: {  	_ =	shalt  }
0x5d: {  	_ =	shalt  }
0x5e: {  	_ =	shalt  }
0x5f: {  	_ =	shalt  }
0x60: {  	_ =	shalt  }
0x61: {  	_ =	shalt  }
0x62: {  	_ =	shalt  }
0x63: {  	_ =	shalt  }
0x64: {  	_ =	shalt  }
0x65: {  	_ =	shalt  }
0x66: {  	_ =	shalt  }
0x67: {  	_ =	shalt  }
0x68: {  	_ =	shalt  }
0x69: {  	_ =	shalt  }
0x6a: {  	_ =	shalt  }
0x6b: {  	_ =	shalt  }
0x6c: {  	_ =	shalt  }
0x6d: {  	_ =	shalt  }
0x6e: {  	_ =	shalt  }
0x6f: {  	_ =	shalt  }
0x70: {  	_ =	shalt  }
0x71: {  	_ =	shalt  }
0x72: {  	_ =	shalt  }
0x73: {  	_ =	shalt  }
0x74: {  	_ =	shalt  }
0x75: {  	_ =	shalt  }
0x76: {  	_ =	shalt  }
0x77: {  	_ =	shalt  }
0x78: {  	_ =	shalt  }
0x79: {  	_ =	shalt  }
0x7a: {  	_ =	shalt  }
0x7b: {  	_ =	shalt  }
0x7c: {  	_ =	shalt  }
0x7d: {  	_ =	shalt  }
0x7e: {  	_ =	shalt  }
0x7f: {  	_ =	shalt  }
0x80: {  	_ =	shalt  }
0x81: {  	_ =	shalt  }
0x82: {  	_ =	shalt  }
0x83: {  	_ =	shalt  }
0x84: {  	_ =	shalt  }
0x85: {  	_ =	shalt  }
0x86: {  	_ =	shalt  }
0x87: {  	_ =	shalt  }
.Lfunc_end0:
.L_simem_size_0:
called_computation_lowered:
.L_overlay_start_0:
0x88: {  	s2 =	sld [smem:$0x3FD9]  }
0x89: {  	s3 =	sld [smem:$0x3FFE];
	_ =	sdelay $0x1  }
0x8a: {  	s1 =	srdreg.scid  }
0x8b: {  	s0 =	sand.u32 $0x1, s1  }
0x8c: {  	s14 =	sshll.u32 s0, $0xA;
	s2 =	sadd.s32 s3, s2  }
0x8d: {  	s2 =	sadd.s32 s2, s14  }
0x8e: {  	[smem:$0x3FC4] =	sst s2  }
0x8f: {  	_ = 	snop  }
0x90: {  	s2 =	sld [smem:$0x3FD0];
	_ =	sdelay $0x2  }
0x91: {  	s15 =	simm.s32 $0xA;
	s4 =	simm.s32 $0x10  }
0x92: {  	[smem:s4], [sflag:s15] =	dma.local [hbm:s2], $0x1  }
0x93: {  	_ =	swait.eq [sflag:s15], $0x1  }
0x94: {  	[sflag:s15] =	ssyncset.done $0x0  }
0x95: {  	[sflag:s15] =	ssyncadd.s32 $0xFFFFFFFF  }
0x96: {  	s16 =	sld [smem:$0x10];
	(tm) =	ssettm $0x1  }
0x97: {  	s17 =	sld [smem:$0x3FFB];
	_ =	sdelay $0x3  }
0x98: {  	_ =	strace s17  }
0x99: {  	s3 =	sld [smem:$0x3FFC];
	_ =	sdelay $0x3  }
0x9a: {  	_ =	strace s3  }
0x9b: {  	s3 =	sld [smem:$0x3FFD];
	_ =	sdelay $0x3  }
0x9c: {  	_ =	strace s3  }
0x9d: {  	_ =	strace $0x8FFFFFFF  }
0x9e: {  	s18 =	sld [smem:$0x3FDB];
	_ =	sdelay $0x1  }
0x9f: {  	s19 =	simm.s32 $_scs_section_size  }
0xa0: {  	s5 =	simm.s32 $_size__tile_overlayer_lowered;
	s6 =	simm.s32 $_tile_overlayer_lowered  }
0xa1: {  	s22 =	simm.s32 $0x1BFF;
	s21 =	sshll.u32 s6, $0x1;
	s3 =	sadd.s32 s19, s18  }
0xa2: {  	s7 =	simm.s32 $0x0;
	s20 =	sshll.u32 s5, $0x1;
	s5 =	sadd.s32 s21, s3  }
0xa3: {  	[timem:s7], [sflag:s22] =	dma.local [hbm:s5], s20  }
0xa4: {  	_ =	swait.ge [sflag:s22], s20  }
0xa5: {  	s4 =	ssub.s32 $0x0, s20;
	[sflag:s22] =	ssyncset.done $0x0  }
0xa6: {  	[sflag:s22] =	ssyncadd.s32 s4;
	_ =	sdelay $0x1  }
0xa7: {  	s23 =	simm.s32 $0x1B8B  }
0xa8: {  	_ =	swait.ge [sflag:s23], $0x1  }
0xa9: {  	[sflag:s23] =	ssyncset.done $0x0  }
0xaa: {  	s25 =	simm.s32 $0x1B8E;
	s24 =	sld [smem:$0x3FFE];
	[sflag:s23] =	ssyncadd.s32 $0xFFFFFFFF  }
0xab: {  	s26 =	simm.s32 $execute0_lowered;
	[smem:$0x3FD2] =	sst s25  }
0xac: {  	s5 =	sshll.u32 s26, $0x1;
	_ =	strace $0x80000046;
	[dreg:$0x1] =	wrdreg $0xFFFFFFFF  }
0xad: {  	s28 =	simm.s32 $_size_execute0_lowered;
	s3 =	sadd.s32 s3, s5;
	[dreg:$0x0] =	wrdreg $0x0  }
0xae: {  	s5 =	sshll.u32 s28, $0x1;
	[dreg:$0x2] =	wrdreg s3  }
0xaf: {  	[dreg:$0x3] =	wrdreg s5  }
0xb0: {  	[dreg:$0x4] =	wrdreg $0xC0  }
0xb1: {  	_ =	task [dreg:s7], $0x5FFFF  }
0xb2: {  	[dreg:$0x1] =	wrdreg $0xFFFFFFFF  }
0xb3: {  	[dreg:$0x0] =	wrdreg $0x60  }
0xb4: {  	[dreg:$0x2] =	wrdreg s16  }
0xb5: {  	[dreg:$0x3] =	wrdreg s24  }
0xb6: {  	[dreg:$0x4] =	wrdreg $0x9  }
0xb7: {  	_ =	task.clear_ibuf [dreg:s7], $0x5FFFF;
	_ =	strace $0x90000046  }
0xb8: {  	s29 =	simm.s32 $0x9;
	_ =	strace $0x80000048  }
0xb9: {  	_ =	swait.ge [sflag:s29], $0x1  }
0xba: {  	[sflag:s29] =	ssyncadd.s32 $0xFFFFFFFF  }
0xbb: {  	_ =	strace $0x90000048  }
0xbc: {  	_ =	sfence  }
0xbd: {  	s30 =	sld [smem:$0x0];
	_ =	sdelay $0x2  }
0xbe: {  	s31 =	sshll.u32 s1, $0xD;
	s1 =	sshrl.u32 s1, $0x2  }
0xbf: {  	s3 =	sand.u32 $0x4000, s31;
	s1 =	sadd.s32 s1, s30  }
0xc0: {  	s0 =	sor.u32 s3, s0;
	s1 =	sshll.u32 s1, $0x11  }
0xc1: {  	s0 =	sor.u32 s1, s0  }
0xc2: {  	s0 =	sadd.s32 $0x8F2B, s0  }
0xc3: {  	[sflag:s0] =	ssyncadd.remote.s32 $0x1  }
0xc4: {  	_ =	sfence.sel $0xFFFF  }
0xc5: {  	[dreg:$0x0] =	wrdreg $0xFFFFFFFF;
	(pc) =	sbr.abs _section_cstart, $3  }
0xc6: {  	[dreg:$0x1] =	wrdreg $0xFFFFFFFF  }
0xc7: {  	_ =	task.clear_ibuf [dreg:s7], $0x2FFFF;
	_ =	strace $0x9FFFFFFF  }
0xc8: {  	(tm) =	ssettm $0x7FFFFFFF  }
0xc9: {  	_ =	shalt  }
tec
execute0_lowered:
.L_overlay_start_1:
0x0: {  	(tag) =	ssettag $0x1  }
0x1: {  	s1 =	srdreg.scid  }
0x2: {  	s0 =	stileid.u32;
	s6 =	sand.u32 $0x1, s1  }
0x3: {  	s2 =	rddreg [dreg:$0x0];
	s30 =	sshll.u32 s0, $0xA;
	s3 =	sshll.u32 s6, $0x9  }
0x4: {  	s8 =	rddreg [dreg:$0x1];
	s7 =	simm.s32 $0x1;
	s9 =	sor.u32 s3, s30  }
0x5: {  	s1 =	rddreg [dreg:$0x2];
	s3 =	simm.s32 $0x0;
	s4 =	sshrl.u32 s9, $0x3  }
0x6: {  	s10 =	ssub.s32 $0x2, s6;
	[smem:$0x7FF] =	sst s3;
	s4 =	sadd.s32 s4, s8  }
0x7: {  	_ =	strace $0x80000047;
	s5 =	sadd.s32 $0x600, s4;
	s4 =	simm.s32 $0x2  }
0x8: {  	[tilespmem:s3], [sflag:$0x2] =	stream.linear.gather [hbm4b:s5+s3], $0x200, $0x38;
	[tilespmem:$0x10200] =	vst v63  }
0x9: {  	s6 =	simm.s32 $0x200;
	s11 =	sshrl.u32 s10, $0x1;
	_ =	swait.ge [sflag:s4], $0x200  }
0xa: {  	s9 =	sshll.u32 s9, $0x4;
	s31 =	ssub.s32 s10, s11;
	[sflag:s4] =	ssyncset.done $0x0  }
0xb: {  	s8 =	sadd.s32 s9, s8;
	s9 =	smax.u32 s31, $0x1;
	[sflag:s4] =	ssyncadd.s32 $0xFFFFFE00  }
0xc: {  	[tilespmem:s6], [sflag:$0x1] =	stream.indirect.gather [hbm4b:s2+s6], $0x80, s3, s6, $0xb8;
	[tilespmem:$0x10200] =	vst v63  }
0xd: {  	p0 =	sne.s32 s9, $0x1;
	_ =	swait.ge [sflag:s7], $0x10000  }
.Ltmp0:
0xe: {  	[sflag:s7] =	ssyncset.done $0x0;
	(pc) =	sbr.rel @!p0 .LBB2_2-.Ltmp0, $4  }
0xf: {  	s8 =	sadd.s32 $0xE00, s8;
	[sflag:s7] =	ssyncadd.s32 $0xFFFF0000  }
0x10: {  	[hbm4b:s8+s3] =	stream.linear.scatter [tilespmem:s6], [sflag:$0x2], $0x10000, $0x38;
	[tilespmem:$0x10200] =	vst v63  }
0x11: {  	_ =	swait.ge [sflag:s4], $0x10000  }
0x12: {  	s9 =	sadd.s32 $0xFFFFFFFF, s9;
	[sflag:s4] =	ssyncset.done $0x0  }
.LBB2_1:
0x13: {  	p0 =	sne.s32 s9, $0x1;
	s9 =	sadd.s32 $0xFFFFFFFF, s9;
	[sflag:s4] =	ssyncadd.s32 $0xFFFF0000  }
0x14: {  	[tilespmem:s3], [sflag:$0x2] =	stream.linear.gather [hbm4b:s5+s3], $0x200, $0x38;
	[tilespmem:$0x10200] =	vst v63  }
0x15: {  	_ =	swait.ge [sflag:s4], $0x200  }
0x16: {  	[sflag:s4] =	ssyncset.done $0x0  }
0x17: {  	[sflag:s4] =	ssyncadd.s32 $0xFFFFFE00  }
0x18: {  	[tilespmem:s6], [sflag:$0x1] =	stream.indirect.gather [hbm4b:s2+s6], $0x80, s3, s6, $0xb8;
	[tilespmem:$0x10200] =	vst v63  }
0x19: {  	_ =	swait.ge [sflag:s7], $0x10000  }
.Ltmp1:
0x1a: {  	[sflag:s7] =	ssyncset.done $0x0;
	(pc) =	sbr.rel @p0 .LBB2_1-.Ltmp1, $4  }
0x1b: {  	[sflag:s7] =	ssyncadd.s32 $0xFFFF0000  }
0x1c: {  	[hbm4b:s8+s3] =	stream.linear.scatter [tilespmem:s6], [sflag:$0x2], $0x10000, $0x38;
	[tilespmem:$0x10200] =	vst v63  }
0x1d: {  	_ =	swait.ge [sflag:s4], $0x10000  }
0x1e: {  	[sflag:s4] =	ssyncset.done $0x0  }
.LBB2_2:
0x1f: {  	[sflag:s4] =	ssyncadd.s32 $0xFFFF0000  }
0x20: {  	_ =	sfence.sel $0x180000  }
0x21: {  	[bflag:$0x0] =	sbarrier.arrive $0xFFFF  }
0x22: {  	p0 =	sne.s32 s0, $0x0;
	_ =	strace $0x90000047  }
0x23: {  	s0 =	sadd.s32 @!p0 $0x100000, s1;
	[bflag:$0x2] =	sbarrier.arrive $0xFFFF  }
0x24: {  	[sflag:s0] =	ssyncadd.tile.s32 @!p0 $0x1;
	_ =	shalt  }
.Lfunc_end2:
_tile_overlayer_lowered:
.L_overlay_start_2:
0x25: {  	(tag) =	ssettag $0x2  }
0x26: {  	s0 =	rddreg [dreg:$0x0];
	s2 =	stileid.u32  }
0x27: {  	s1 =	rddreg [dreg:$0x1];
	p0 =	sne.s32 s2, $0x0  }
0x28: {  	s3 =	rddreg [dreg:$0x2];
	[bflag:$0x3] =	sbarrier.arrive $0xFFFF;
	s2 =	simm.s32 @!p0 $0x1C02  }
0x29: {  	[timem:s3], [sflag:s2] =	dma.local @!p0 [hbm:s0], s1  }
0x2a: {  	s0 =	simm.s32 @!p0 $0x2  }
0x2b: {  	_ =	swait.ge @!p0 [sflag:s0], s1  }
0x2c: {  	s1 =	ssub.s32 @!p0 $0x0, s1;
	[sflag:s0] =	ssyncset.done @!p0 $0x0  }
0x2d: {  	[sflag:s0] =	ssyncadd.s32 @!p0 s1  }
0x2e: {  	[bflag:$0x3] =	sbarrier.arrive $0xFFFF  }
0x2f: {  	_ =	shalt  }

</sc_bundles>
